<compile_context>
chip_gen: v7x
topology: tpu7x:2x2x1
jax: 0.10.2.dev20260603
libtpu: 0.0.44.dev20260713+nightly
codegen_flags: <defaults>
</compile_context>

<pallas_src>
import jax
import jax.numpy as jnp
from jax import lax
from jax.experimental import pallas as pl
from jax.experimental.pallas import tpu as pltpu
from jax.experimental.pallas import tpu_sc as plsc

_INFO = plsc.get_sparse_core_info()
_NC, _NS, _L = _INFO.num_cores, _INFO.num_subcores, _INFO.num_lanes
_NW = _NC * _NS

_D4 = 512
_C = 64
_SUP = 2048
_NCH = _SUP // _C


def _sc_body(b0_hbm, r0_hbm, b1_hbm, r1_hbm, tab_hbm, out_hbm,
             ib0, ir0, ib1, ir1, cidx, rows0, rows1,
             gsem0, gsem1, osem0, osem1):
    cid = lax.axis_index("c")
    sid = lax.axis_index("s")
    wid = sid * _NC + cid
    n_pairs = b0_hbm.shape[0]
    per_w = n_pairs // _NW
    n_super = per_w // _SUP
    tab_off = wid * 400

    rows = (rows0, rows1)
    gsems = (gsem0, gsem1)
    osems = (osem0, osem1)

    def super_body(s_i, _):
        sup_start = wid * per_w + s_i * _SUP
        sl = pl.ds(sup_start, _SUP)
        pltpu.sync_copy(b0_hbm.at[sl], ib0)
        pltpu.sync_copy(r0_hbm.at[sl], ir0)
        pltpu.sync_copy(b1_hbm.at[sl], ib1)
        pltpu.sync_copy(r1_hbm.at[sl], ir1)

        def cvt(i, _):
            s = pl.ds(i * _L, _L)
            cidx[s] = ((ib0[s] * 5 + ir0[s]) * 20
                       + (ib1[s] * 5 + ir1[s]) + tab_off)
            return _

        lax.fori_loop(0, _SUP // _L, cvt, 0)

        def pair_body(p, _):
            for b in range(2):
                ch = p * 2 + b
                first_use = (s_i == 0) & (p == 0)

                @pl.when(jnp.logical_not(first_use))
                def _wait():
                    pltpu.make_async_copy(
                        rows[b], out_hbm.at[pl.ds(0, _C)], osems[b]).wait()

                pltpu.async_copy(
                    tab_hbm.at[cidx.at[pl.ds(ch * _C, _C)]],
                    rows[b], gsems[b]).wait()
                out_off = sup_start + ch * _C
                pltpu.async_copy(
                    rows[b], out_hbm.at[pl.ds(out_off, _C)], osems[b])
            return _

        lax.fori_loop(0, _NCH // 2, pair_body, 0)
        return _

    lax.fori_loop(0, n_super, super_body, 0)

    for b in range(2):
        pltpu.make_async_copy(
            rows[b], out_hbm.at[pl.ds(0, _C)], osems[b]).wait()


@jax.jit
def kernel(batch_base_seq, batch_ref_seq, read_table, ref_table):
    B, S = batch_base_seq.shape
    D = read_table.shape[1]
    N = B * S
    c = jnp.arange(20)
    combined = jnp.concatenate(
        [read_table[c // 5], ref_table[c % 5]], axis=1)
    cp = jnp.arange(400)
    pair_tab = jnp.concatenate(
        [combined[cp // 20], combined[cp % 20]], axis=1)
    rep_tab = jnp.tile(pair_tab, (_NW, 1))
    base = batch_base_seq.astype(jnp.int32).reshape(N // 2, 2)
    refi = batch_ref_seq.astype(jnp.int32).reshape(N // 2, 2)
    b0, b1 = base[:, 0], base[:, 1]
    r0, r1 = refi[:, 0], refi[:, 1]

    run = pl.kernel(
        _sc_body,
        out_type=jax.ShapeDtypeStruct((N // 2, 4 * D), jnp.float32),
        mesh=plsc.VectorSubcoreMesh(core_axis_name="c", subcore_axis_name="s"),
        scratch_types=[
            pltpu.VMEM((_SUP,), jnp.int32),
            pltpu.VMEM((_SUP,), jnp.int32),
            pltpu.VMEM((_SUP,), jnp.int32),
            pltpu.VMEM((_SUP,), jnp.int32),
            pltpu.VMEM((_SUP,), jnp.int32),
            pltpu.VMEM((_C, _D4), jnp.float32),
            pltpu.VMEM((_C, _D4), jnp.float32),
            pltpu.SemaphoreType.DMA,
            pltpu.SemaphoreType.DMA,
            pltpu.SemaphoreType.DMA,
            pltpu.SemaphoreType.DMA,
        ],
    )
    out = run(b0, r0, b1, r1, rep_tab)
    return out.reshape(B, S, 2 * D)

# --- scband reference (transcript-rebuilt; emitter-appended) ---
"""Pipeline reference for scband-refand-read-embed-25512105738516 (READ-ONLY COPY).

The authoritative reference and input builder live on the scoring server;
editing this copy changes nothing except your own understanding.
"""

import jax, jax.numpy as jnp
import numpy as np

EMBED_DIM = 128

def setup_inputs(seed: int = 0) -> dict:
    key = jax.random.key(seed)
    k1, k2, k3, k4 = jax.random.split(key, 4)
    batch_base_seq = jax.random.randint(k1, (16384, 200), 0, 4, dtype=jnp.int64 if jax.config.jax_enable_x64 else jnp.int32)
    batch_ref_seq = jax.random.randint(k2, (16384, 200), 0, 5, dtype=jnp.int64 if jax.config.jax_enable_x64 else jnp.int32)
    read_table = jax.random.normal(k3, (4, EMBED_DIM), dtype=jnp.float32)
    ref_table = jax.random.normal(k4, (5, EMBED_DIM), dtype=jnp.float32)
    return {"batch_base_seq": batch_base_seq, "batch_ref_seq": batch_ref_seq, "read_table": read_table, "ref_table": ref_table}

def reference(batch_base_seq, batch_ref_seq, read_table, ref_table):
    base_emb = jnp.take(read_table, batch_base_seq, axis=0)
    ref_emb = jnp.take(ref_table, batch_ref_seq, axis=0)
    return jnp.concatenate((base_emb, ref_emb), axis=2)

if __name__ == "__main__":
    import jax
    _d = setup_inputs()
    print(jax.jit(kernel)(*tuple(_d.values())))

</pallas_src>

<mosaic_0001>
#map = affine_map<(d0, d1) -> (0)>
#map1 = affine_map<(d0, d1) -> (0, 0)>
module attributes {stable_mosaic.version = 14 : i64} {
  func.func @_sc_body(%arg0: i32, %arg1: i32, %arg2: memref<1638400xi32, #tpu.memory_space<hbm>>, %arg3: memref<1638400xi32, #tpu.memory_space<hbm>>, %arg4: memref<1638400xi32, #tpu.memory_space<hbm>>, %arg5: memref<1638400xi32, #tpu.memory_space<hbm>>, %arg6: memref<12800x512xf32, #tpu.memory_space<hbm>>, %arg7: memref<1638400x512xf32, #tpu.memory_space<hbm>>, %arg8: memref<2048xi32, #tpu.memory_space<vmem>>, %arg9: memref<2048xi32, #tpu.memory_space<vmem>>, %arg10: memref<2048xi32, #tpu.memory_space<vmem>>, %arg11: memref<2048xi32, #tpu.memory_space<vmem>>, %arg12: memref<2048xi32, #tpu.memory_space<vmem>>, %arg13: memref<64x512xf32, #tpu.memory_space<vmem>>, %arg14: memref<64x512xf32, #tpu.memory_space<vmem>>, %arg15: memref<!tpu.dma_semaphore, #tpu.memory_space<semaphore_mem>>, %arg16: memref<!tpu.dma_semaphore, #tpu.memory_space<semaphore_mem>>, %arg17: memref<!tpu.dma_semaphore, #tpu.memory_space<semaphore_mem>>, %arg18: memref<!tpu.dma_semaphore, #tpu.memory_space<semaphore_mem>>) attributes {dimension_semantics = [#tpu.dimension_semantics<core_parallel>, #tpu.dimension_semantics<subcore_parallel>], iteration_bounds = array<i64: 2, 16>, scalar_prefetch = 0 : i64, scratch_operands = 11 : i64, tpu.core_type = #tpu.core_type<sc_vector_subcore>, window_params = [{transform_indices = #map}, {transform_indices = #map}, {transform_indices = #map}, {transform_indices = #map}, {transform_indices = #map1}, {transform_indices = #map1}]} {
    %mul3A = arith.constant 2 : i32
    %mul3A_0 = arith.muli %arg1, %mul3A : i32
    %add3A = arith.addi %mul3A_0, %arg0 : i32
    %mul3A_1 = arith.constant 400 : i32
    %mul3A_2 = arith.muli %add3A, %mul3A_1 : i32
    %scan3A = arith.constant 0 : i32
    %scan3A_3 = arith.constant 0 : i32
    %scan3A_4 = arith.constant 25 : i32
    %scan3A_5 = arith.addi %scan3A_3, %scan3A_4 : i32
    %scan3A_6 = arith.constant 1 : i32
    scf.for %scan3A_19 = %scan3A_3 to %scan3A_5 step %scan3A_6  : i32 {
      %mul3A_20 = arith.constant 51200 : i32
      %mul3A_21 = arith.muli %add3A, %mul3A_20 : i32
      %mul3A_22 = arith.constant 2048 : i32
      %mul3A_23 = arith.muli %scan3A_19, %mul3A_22 : i32
      %add3A_24 = arith.addi %mul3A_21, %mul3A_23 : i32
      "tpu.region"() ({
        %run_scoped3A = tpu.sem_alloc : memref<!tpu.dma_semaphore, #tpu.memory_space<semaphore_mem>>
        %dma_start3A = tpu.memref_slice %arg2[%add3A_24] : memref<1638400xi32, #tpu.memory_space<hbm>> -> memref<2048xi32, #tpu.memory_space<hbm>>
        %dma_start3A_37 = tpu.memref_slice %arg2[%add3A_24] : memref<1638400xi32, #tpu.memory_space<hbm>> -> memref<2048xi32, #tpu.memory_space<hbm>>
        tpu.enqueue_dma source(%dma_start3A_37 : memref<2048xi32, #tpu.memory_space<hbm>>) target(%arg8 : memref<2048xi32, #tpu.memory_space<vmem>>) target_semaphore(%run_scoped3A : memref<!tpu.dma_semaphore, #tpu.memory_space<semaphore_mem>>)
        %dma_wait3A_38 = tpu.memref_slice %arg2[%add3A_24] : memref<1638400xi32, #tpu.memory_space<hbm>> -> memref<2048xi32, #tpu.memory_space<hbm>>
        %dma_wait3A_39 = tpu.memref_slice %arg2[%add3A_24] : memref<1638400xi32, #tpu.memory_space<hbm>> -> memref<2048xi32, #tpu.memory_space<hbm>>
        tpu.wait_dma2 semaphore(%run_scoped3A : memref<!tpu.dma_semaphore, #tpu.memory_space<semaphore_mem>>) src(%dma_wait3A_39 : memref<2048xi32, #tpu.memory_space<hbm>>) dst(%arg8 : memref<2048xi32, #tpu.memory_space<vmem>>)
        tpu.yield
      }) : () -> ()
      "tpu.region"() ({
        %run_scoped3A = tpu.sem_alloc : memref<!tpu.dma_semaphore, #tpu.memory_space<semaphore_mem>>
        %dma_start3A = tpu.memref_slice %arg3[%add3A_24] : memref<1638400xi32, #tpu.memory_space<hbm>> -> memref<2048xi32, #tpu.memory_space<hbm>>
        %dma_start3A_37 = tpu.memref_slice %arg3[%add3A_24] : memref<1638400xi32, #tpu.memory_space<hbm>> -> memref<2048xi32, #tpu.memory_space<hbm>>
        tpu.enqueue_dma source(%dma_start3A_37 : memref<2048xi32, #tpu.memory_space<hbm>>) target(%arg9 : memref<2048xi32, #tpu.memory_space<vmem>>) target_semaphore(%run_scoped3A : memref<!tpu.dma_semaphore, #tpu.memory_space<semaphore_mem>>)
        %dma_wait3A_38 = tpu.memref_slice %arg3[%add3A_24] : memref<1638400xi32, #tpu.memory_space<hbm>> -> memref<2048xi32, #tpu.memory_space<hbm>>
        %dma_wait3A_39 = tpu.memref_slice %arg3[%add3A_24] : memref<1638400xi32, #tpu.memory_space<hbm>> -> memref<2048xi32, #tpu.memory_space<hbm>>
        tpu.wait_dma2 semaphore(%run_scoped3A : memref<!tpu.dma_semaphore, #tpu.memory_space<semaphore_mem>>) src(%dma_wait3A_39 : memref<2048xi32, #tpu.memory_space<hbm>>) dst(%arg9 : memref<2048xi32, #tpu.memory_space<vmem>>)
        tpu.yield
      }) : () -> ()
      "tpu.region"() ({
        %run_scoped3A = tpu.sem_alloc : memref<!tpu.dma_semaphore, #tpu.memory_space<semaphore_mem>>
        %dma_start3A = tpu.memref_slice %arg4[%add3A_24] : memref<1638400xi32, #tpu.memory_space<hbm>> -> memref<2048xi32, #tpu.memory_space<hbm>>
        %dma_start3A_37 = tpu.memref_slice %arg4[%add3A_24] : memref<1638400xi32, #tpu.memory_space<hbm>> -> memref<2048xi32, #tpu.memory_space<hbm>>
        tpu.enqueue_dma source(%dma_start3A_37 : memref<2048xi32, #tpu.memory_space<hbm>>) target(%arg10 : memref<2048xi32, #tpu.memory_space<vmem>>) target_semaphore(%run_scoped3A : memref<!tpu.dma_semaphore, #tpu.memory_space<semaphore_mem>>)
        %dma_wait3A_38 = tpu.memref_slice %arg4[%add3A_24] : memref<1638400xi32, #tpu.memory_space<hbm>> -> memref<2048xi32, #tpu.memory_space<hbm>>
        %dma_wait3A_39 = tpu.memref_slice %arg4[%add3A_24] : memref<1638400xi32, #tpu.memory_space<hbm>> -> memref<2048xi32, #tpu.memory_space<hbm>>
        tpu.wait_dma2 semaphore(%run_scoped3A : memref<!tpu.dma_semaphore, #tpu.memory_space<semaphore_mem>>) src(%dma_wait3A_39 : memref<2048xi32, #tpu.memory_space<hbm>>) dst(%arg10 : memref<2048xi32, #tpu.memory_space<vmem>>)
        tpu.yield
      }) : () -> ()
      "tpu.region"() ({
        %run_scoped3A = tpu.sem_alloc : memref<!tpu.dma_semaphore, #tpu.memory_space<semaphore_mem>>
        %dma_start3A = tpu.memref_slice %arg5[%add3A_24] : memref<1638400xi32, #tpu.memory_space<hbm>> -> memref<2048xi32, #tpu.memory_space<hbm>>
        %dma_start3A_37 = tpu.memref_slice %arg5[%add3A_24] : memref<1638400xi32, #tpu.memory_space<hbm>> -> memref<2048xi32, #tpu.memory_space<hbm>>
        tpu.enqueue_dma source(%dma_start3A_37 : memref<2048xi32, #tpu.memory_space<hbm>>) target(%arg11 : memref<2048xi32, #tpu.memory_space<vmem>>) target_semaphore(%run_scoped3A : memref<!tpu.dma_semaphore, #tpu.memory_space<semaphore_mem>>)
        %dma_wait3A_38 = tpu.memref_slice %arg5[%add3A_24] : memref<1638400xi32, #tpu.memory_space<hbm>> -> memref<2048xi32, #tpu.memory_space<hbm>>
        %dma_wait3A_39 = tpu.memref_slice %arg5[%add3A_24] : memref<1638400xi32, #tpu.memory_space<hbm>> -> memref<2048xi32, #tpu.memory_space<hbm>>
        tpu.wait_dma2 semaphore(%run_scoped3A : memref<!tpu.dma_semaphore, #tpu.memory_space<semaphore_mem>>) src(%dma_wait3A_39 : memref<2048xi32, #tpu.memory_space<hbm>>) dst(%arg11 : memref<2048xi32, #tpu.memory_space<vmem>>)
        tpu.yield
      }) : () -> ()
      %scan3A_25 = arith.constant 0 : i32
      %scan3A_26 = arith.constant 0 : i32
      %scan3A_27 = arith.constant 128 : i32
      %scan3A_28 = arith.addi %scan3A_26, %scan3A_27 : i32
      %scan3A_29 = arith.constant 1 : i32
      scf.for %scan3A_37 = %scan3A_26 to %scan3A_28 step %scan3A_29  : i32 {
        %mul3A_38 = arith.constant 16 : i32
        %mul3A_39 = arith.muli %scan3A_37, %mul3A_38 : i32
        %get3A = arith.index_cast %mul3A_39 : i32 to index
        %get3A_40 = tpu.vector_load %arg8[%get3A] {strides = array<i32>} : memref<2048xi32, #tpu.memory_space<vmem>>, vector<16xi32>,
        %get3A_41 = vector.shape_cast %get3A_40 : vector<16xi32> to vector<16xi32>
        %mul3A_42 = arith.constant 5 : i32
        %mul3A_43 = vector.broadcast %mul3A_42 : i32 to vector<16xi32>
        %mul3A_44 = arith.muli %get3A_41, %mul3A_43 : vector<16xi32>
        %get3A_45 = arith.index_cast %mul3A_39 : i32 to index
        %get3A_46 = tpu.vector_load %arg9[%get3A_45] {strides = array<i32>} : memref<2048xi32, #tpu.memory_space<vmem>>, vector<16xi32>,
        %get3A_47 = vector.shape_cast %get3A_46 : vector<16xi32> to vector<16xi32>
        %add3A_48 = arith.addi %mul3A_44, %get3A_47 : vector<16xi32>
        %mul3A_49 = arith.constant 20 : i32
        %mul3A_50 = vector.broadcast %mul3A_49 : i32 to vector<16xi32>
        %mul3A_51 = arith.muli %add3A_48, %mul3A_50 : vector<16xi32>
        %get3A_52 = arith.index_cast %mul3A_39 : i32 to index
        %get3A_53 = tpu.vector_load %arg10[%get3A_52] {strides = array<i32>} : memref<2048xi32, #tpu.memory_space<vmem>>, vector<16xi32>,
        %get3A_54 = vector.shape_cast %get3A_53 : vector<16xi32> to vector<16xi32>
        %mul3A_55 = arith.constant 5 : i32
        %mul3A_56 = vector.broadcast %mul3A_55 : i32 to vector<16xi32>
        %mul3A_57 = arith.muli %get3A_54, %mul3A_56 : vector<16xi32>
        %get3A_58 = arith.index_cast %mul3A_39 : i32 to index
        %get3A_59 = tpu.vector_load %arg11[%get3A_58] {strides = array<i32>} : memref<2048xi32, #tpu.memory_space<vmem>>, vector<16xi32>,
        %get3A_60 = vector.shape_cast %get3A_59 : vector<16xi32> to vector<16xi32>
        %add3A_61 = arith.addi %mul3A_57, %get3A_60 : vector<16xi32>
        %add3A_62 = arith.addi %mul3A_51, %add3A_61 : vector<16xi32>
        %add3A_63 = vector.broadcast %mul3A_2 : i32 to vector<16xi32>
        %add3A_64 = arith.addi %add3A_62, %add3A_63 : vector<16xi32>
        %swap3A = arith.index_cast %mul3A_39 : i32 to index
        %swap3A_65 = tpu.vector_load %arg12[%swap3A] {strides = array<i32>} : memref<2048xi32, #tpu.memory_space<vmem>>, vector<16xi32>,
        %swap3A_66 = vector.shape_cast %swap3A_65 : vector<16xi32> to vector<16xi32>
        %swap3A_67 = vector.shape_cast %add3A_64 : vector<16xi32> to vector<16xi32>
        tpu.vector_store %arg12[%swap3A], %swap3A_67 {strides = array<i32>} : memref<2048xi32, #tpu.memory_space<vmem>>, vector<16xi32>,
      }
      %scan3A_30 = arith.constant 128 : i32
      %scan3A_31 = arith.constant 0 : i32
      %scan3A_32 = arith.constant 0 : i32
      %scan3A_33 = arith.constant 16 : i32
      %scan3A_34 = arith.addi %scan3A_32, %scan3A_33 : i32
      %scan3A_35 = arith.constant 1 : i32
      scf.for %scan3A_37 = %scan3A_32 to %scan3A_34 step %scan3A_35  : i32 {
        %mul3A_38 = arith.constant 2 : i32
        %mul3A_39 = arith.muli %scan3A_37, %mul3A_38 : i32
        %add3A_40 = arith.constant 0 : i32
        %add3A_41 = arith.addi %mul3A_39, %add3A_40 : i32
        %eq3A = arith.constant 0 : i32
        %eq3A_42 = arith.cmpi eq, %scan3A_19, %eq3A : i32
        %eq3A_43 = arith.constant 0 : i32
        %eq3A_44 = arith.cmpi eq, %scan3A_37, %eq3A_43 : i32
        %and3A = arith.andi %eq3A_42, %eq3A_44 : i1
        %not3A = arith.constant true
        %not3A_45 = arith.xori %and3A, %not3A : i1
        %convert_element_type3A = arith.extui %not3A_45 : i1 to i32
        %cond3A = arith.constant 0 : i32
        %cond3A_46 = arith.cmpi ne, %convert_element_type3A, %cond3A : i32
        scf.if %cond3A_46 {
          %dma_wait3A_94 = arith.constant 0 : i32
          %dma_wait3A_95 = arith.constant 0 : i32
          %dma_wait3A_96 = tpu.memref_slice %arg7[%dma_wait3A_94, %dma_wait3A_95] : memref<1638400x512xf32, #tpu.memory_space<hbm>> -> memref<64x512xf32, #tpu.memory_space<hbm>>
          %dma_wait3A_97 = arith.constant 0 : i32
          %dma_wait3A_98 = arith.constant 0 : i32
          %dma_wait3A_99 = tpu.memref_slice %arg7[%dma_wait3A_97, %dma_wait3A_98] : memref<1638400x512xf32, #tpu.memory_space<hbm>> -> memref<64x512xf32, #tpu.memory_space<hbm>>
          tpu.wait_dma2 semaphore(%arg17 : memref<!tpu.dma_semaphore, #tpu.memory_space<semaphore_mem>>) src(%arg13 : memref<64x512xf32, #tpu.memory_space<vmem>>) dst(%dma_wait3A_99 : memref<64x512xf32, #tpu.memory_space<hbm>>)
        } else {
        }
        %mul3A_47 = arith.constant 64 : i32
        %mul3A_48 = arith.muli %add3A_41, %mul3A_47 : i32
        %dma_start3A = tpu.memref_slice %arg12[%mul3A_48] : memref<2048xi32, #tpu.memory_space<vmem>> -> memref<64xi32, #tpu.memory_space<vmem>>
        %dma_start3A_49 = arith.constant 0 : i32
        %dma_start3A_50 = arith.constant 0 : i32
        %dma_start3A_51 = tpu.memref_slice %arg6[%dma_start3A_49, %dma_start3A_50] : memref<12800x512xf32, #tpu.memory_space<hbm>> -> memref<12800x512xf32, #tpu.memory_space<hbm>>
        tpu.enqueue_indirect_dma source(%dma_start3A_51 : memref<12800x512xf32, #tpu.memory_space<hbm>>) target(%arg13 : memref<64x512xf32, #tpu.memory_space<vmem>>) offsets(%dma_start3A : memref<64xi32, #tpu.memory_space<vmem>>) semaphore(%arg15 : memref<!tpu.dma_semaphore, #tpu.memory_space<semaphore_mem>>)
        %dma_wait3A_52 = tpu.memref_slice %arg12[%mul3A_48] : memref<2048xi32, #tpu.memory_space<vmem>> -> memref<64xi32, #tpu.memory_space<vmem>>
        %dma_wait3A_53 = arith.constant 0 : i32
        %dma_wait3A_54 = arith.constant 0 : i32
        %dma_wait3A_55 = tpu.memref_slice %arg6[%dma_wait3A_53, %dma_wait3A_54] : memref<12800x512xf32, #tpu.memory_space<hbm>> -> memref<12800x512xf32, #tpu.memory_space<hbm>>
        tpu.wait_indirect_dma semaphore(%arg15 : memref<!tpu.dma_semaphore, #tpu.memory_space<semaphore_mem>>) src(%dma_wait3A_55 : memref<12800x512xf32, #tpu.memory_space<hbm>>) dst(%arg13 : memref<64x512xf32, #tpu.memory_space<vmem>>)
        %mul3A_56 = arith.constant 64 : i32
        %mul3A_57 = arith.muli %add3A_41, %mul3A_56 : i32
        %add3A_58 = arith.addi %add3A_24, %mul3A_57 : i32
        %dma_start3A_59 = arith.constant 0 : i32
        %dma_start3A_60 = tpu.memref_slice %arg7[%add3A_58, %dma_start3A_59] : memref<1638400x512xf32, #tpu.memory_space<hbm>> -> memref<64x512xf32, #tpu.memory_space<hbm>>
        %dma_start3A_61 = arith.constant 0 : i32
        %dma_start3A_62 = tpu.memref_slice %arg7[%add3A_58, %dma_start3A_61] : memref<1638400x512xf32, #tpu.memory_space<hbm>> -> memref<64x512xf32, #tpu.memory_space<hbm>>
        tpu.enqueue_dma source(%arg13 : memref<64x512xf32, #tpu.memory_space<vmem>>) target(%dma_start3A_62 : memref<64x512xf32, #tpu.memory_space<hbm>>) target_semaphore(%arg17 : memref<!tpu.dma_semaphore, #tpu.memory_space<semaphore_mem>>)
        %mul3A_63 = arith.constant 2 : i32
        %mul3A_64 = arith.muli %scan3A_37, %mul3A_63 : i32
        %add3A_65 = arith.constant 1 : i32
        %add3A_66 = arith.addi %mul3A_64, %add3A_65 : i32
        %eq3A_67 = arith.constant 0 : i32
        %eq3A_68 = arith.cmpi eq, %scan3A_19, %eq3A_67 : i32
        %eq3A_69 = arith.constant 0 : i32
        %eq3A_70 = arith.cmpi eq, %scan3A_37, %eq3A_69 : i32
        %and3A_71 = arith.andi %eq3A_68, %eq3A_70 : i1
        %not3A_72 = arith.constant true
        %not3A_73 = arith.xori %and3A_71, %not3A_72 : i1
        %convert_element_type3A_74 = arith.extui %not3A_73 : i1 to i32
        %cond3A_75 = arith.constant 0 : i32
        %cond3A_76 = arith.cmpi ne, %convert_element_type3A_74, %cond3A_75 : i32
        scf.if %cond3A_76 {
          %dma_wait3A_94 = arith.constant 0 : i32
          %dma_wait3A_95 = arith.constant 0 : i32
          %dma_wait3A_96 = tpu.memref_slice %arg7[%dma_wait3A_94, %dma_wait3A_95] : memref<1638400x512xf32, #tpu.memory_space<hbm>> -> memref<64x512xf32, #tpu.memory_space<hbm>>
          %dma_wait3A_97 = arith.constant 0 : i32
          %dma_wait3A_98 = arith.constant 0 : i32
          %dma_wait3A_99 = tpu.memref_slice %arg7[%dma_wait3A_97, %dma_wait3A_98] : memref<1638400x512xf32, #tpu.memory_space<hbm>> -> memref<64x512xf32, #tpu.memory_space<hbm>>
          tpu.wait_dma2 semaphore(%arg18 : memref<!tpu.dma_semaphore, #tpu.memory_space<semaphore_mem>>) src(%arg14 : memref<64x512xf32, #tpu.memory_space<vmem>>) dst(%dma_wait3A_99 : memref<64x512xf32, #tpu.memory_space<hbm>>)
        } else {
        }
        %mul3A_77 = arith.constant 64 : i32
        %mul3A_78 = arith.muli %add3A_66, %mul3A_77 : i32
        %dma_start3A_79 = tpu.memref_slice %arg12[%mul3A_78] : memref<2048xi32, #tpu.memory_space<vmem>> -> memref<64xi32, #tpu.memory_space<vmem>>
        %dma_start3A_80 = arith.constant 0 : i32
        %dma_start3A_81 = arith.constant 0 : i32
        %dma_start3A_82 = tpu.memref_slice %arg6[%dma_start3A_80, %dma_start3A_81] : memref<12800x512xf32, #tpu.memory_space<hbm>> -> memref<12800x512xf32, #tpu.memory_space<hbm>>
        tpu.enqueue_indirect_dma source(%dma_start3A_82 : memref<12800x512xf32, #tpu.memory_space<hbm>>) target(%arg14 : memref<64x512xf32, #tpu.memory_space<vmem>>) offsets(%dma_start3A_79 : memref<64xi32, #tpu.memory_space<vmem>>) semaphore(%arg16 : memref<!tpu.dma_semaphore, #tpu.memory_space<semaphore_mem>>)
        %dma_wait3A_83 = tpu.memref_slice %arg12[%mul3A_78] : memref<2048xi32, #tpu.memory_space<vmem>> -> memref<64xi32, #tpu.memory_space<vmem>>
        %dma_wait3A_84 = arith.constant 0 : i32
        %dma_wait3A_85 = arith.constant 0 : i32
        %dma_wait3A_86 = tpu.memref_slice %arg6[%dma_wait3A_84, %dma_wait3A_85] : memref<12800x512xf32, #tpu.memory_space<hbm>> -> memref<12800x512xf32, #tpu.memory_space<hbm>>
        tpu.wait_indirect_dma semaphore(%arg16 : memref<!tpu.dma_semaphore, #tpu.memory_space<semaphore_mem>>) src(%dma_wait3A_86 : memref<12800x512xf32, #tpu.memory_space<hbm>>) dst(%arg14 : memref<64x512xf32, #tpu.memory_space<vmem>>)
        %mul3A_87 = arith.constant 64 : i32
        %mul3A_88 = arith.muli %add3A_66, %mul3A_87 : i32
        %add3A_89 = arith.addi %add3A_24, %mul3A_88 : i32
        %dma_start3A_90 = arith.constant 0 : i32
        %dma_start3A_91 = tpu.memref_slice %arg7[%add3A_89, %dma_start3A_90] : memref<1638400x512xf32, #tpu.memory_space<hbm>> -> memref<64x512xf32, #tpu.memory_space<hbm>>
        %dma_start3A_92 = arith.constant 0 : i32
        %dma_start3A_93 = tpu.memref_slice %arg7[%add3A_89, %dma_start3A_92] : memref<1638400x512xf32, #tpu.memory_space<hbm>> -> memref<64x512xf32, #tpu.memory_space<hbm>>
        tpu.enqueue_dma source(%arg14 : memref<64x512xf32, #tpu.memory_space<vmem>>) target(%dma_start3A_93 : memref<64x512xf32, #tpu.memory_space<hbm>>) target_semaphore(%arg18 : memref<!tpu.dma_semaphore, #tpu.memory_space<semaphore_mem>>)
      }
      %scan3A_36 = arith.constant 16 : i32
    }
    %scan3A_7 = arith.constant 25 : i32
    %dma_wait3A = arith.constant 0 : i32
    %dma_wait3A_8 = arith.constant 0 : i32
    %dma_wait3A_9 = tpu.memref_slice %arg7[%dma_wait3A, %dma_wait3A_8] : memref<1638400x512xf32, #tpu.memory_space<hbm>> -> memref<64x512xf32, #tpu.memory_space<hbm>>
    %dma_wait3A_10 = arith.constant 0 : i32
    %dma_wait3A_11 = arith.constant 0 : i32
    %dma_wait3A_12 = tpu.memref_slice %arg7[%dma_wait3A_10, %dma_wait3A_11] : memref<1638400x512xf32, #tpu.memory_space<hbm>> -> memref<64x512xf32, #tpu.memory_space<hbm>>
    tpu.wait_dma2 semaphore(%arg17 : memref<!tpu.dma_semaphore, #tpu.memory_space<semaphore_mem>>) src(%arg13 : memref<64x512xf32, #tpu.memory_space<vmem>>) dst(%dma_wait3A_12 : memref<64x512xf32, #tpu.memory_space<hbm>>)
    %dma_wait3A_13 = arith.constant 0 : i32
    %dma_wait3A_14 = arith.constant 0 : i32
    %dma_wait3A_15 = tpu.memref_slice %arg7[%dma_wait3A_13, %dma_wait3A_14] : memref<1638400x512xf32, #tpu.memory_space<hbm>> -> memref<64x512xf32, #tpu.memory_space<hbm>>
    %dma_wait3A_16 = arith.constant 0 : i32
    %dma_wait3A_17 = arith.constant 0 : i32
    %dma_wait3A_18 = tpu.memref_slice %arg7[%dma_wait3A_16, %dma_wait3A_17] : memref<1638400x512xf32, #tpu.memory_space<hbm>> -> memref<64x512xf32, #tpu.memory_space<hbm>>
    tpu.wait_dma2 semaphore(%arg18 : memref<!tpu.dma_semaphore, #tpu.memory_space<semaphore_mem>>) src(%arg14 : memref<64x512xf32, #tpu.memory_space<vmem>>) dst(%dma_wait3A_18 : memref<64x512xf32, #tpu.memory_space<hbm>>)
    return
  }
}

</mosaic_0001>

<sc_bundles>
// kernel: kernel.3.cloned.1.call-start
scs
__scs_entry_jumppad:
0x0: {  	(pc) =	sbr.rel $0x88, $3  }
0x1: {  	(tag) =	ssettag $0x0;
	lr =	simm.s32 $0x1  }
0x2: {  	[smem:$0x3F9D] =	sst lr;
	_ =	strace $0xD0000000  }
0x3: {  	_ = 	snop  }
0x4: {  	_ = 	snop  }
0x5: {  	_ = 	snop  }
0x6: {  	_ = 	snop  }
0x7: {  	_ = 	snop  }
__scs_overlays_trampoline_lowered:
0x8: {  	[smem:$0x3FAC] =	sst s0  }
0x9: {  	[smem:$0x3FAD] =	sst s1  }
0xa: {  	[smem:$0x3FAE] =	sst s2  }
0xb: {  	[smem:$0x3FAF] =	sst s3  }
0xc: {  	[smem:$0x3FB0] =	sst s4  }
0xd: {  	[smem:$0x3FB1] =	sst s5  }
0xe: {  	[smem:$0x3FB2] =	sst s6  }
0xf: {  	[smem:$0x3FB3] =	sst s7  }
0x10: {  	[smem:$0x3FB4] =	sst s8  }
0x11: {  	[smem:$0x3FB5] =	sst s9;
	s0 =	simm.s32 @!p0 $0x0  }
0x12: {  	s1 =	sld [smem:$0x3F9B];
	s0 =	simm.s32 @p0 $0x1  }
0x13: {  	[smem:$0x3FB6] =	sst s0;
	s0 =	simm.s32 @!p1 $0x0  }
0x14: {  	s2 =	sld [smem:$0x3F9A];
	s0 =	simm.s32 @p1 $0x1  }
0x15: {  	[smem:$0x3FB7] =	sst s0;
	s0 =	simm.s32 @!p2 $0x0  }
0x16: {  	s3 =	sld [smem:$0x3FDB];
	s0 =	simm.s32 @p2 $0x1  }
0x17: {  	s4 =	simm.s32 $0x1BF5;
	[smem:$0x3FB9] =	sst s0  }
0x18: {  	s0 =	sld [smem:$0x3F9C];
	_ =	swait.ge [sflag:s4], $0x0  }
0x19: {  	s7 =	sld [smem:$0x3F9D]  }
0x1a: {  	s8 =	sadd.s32 $0xFFFFE003, lr  }
0x1b: {  	s9 =	sadd.s32 $0xFFFFFEF7, lr;
	s5 =	simm.s32 $0xFFFFFFFF;
	p2 =	slt.u32 s8, $0xFFFFF086  }
0x1c: {  	p1 =	slt.u32 s9, $0xF7A;
	s5 =	simm.s32 @!p2 $0x0  }
0x1d: {  	s5 =	simm.s32 @p1 $0x1;
	p0 =	seq.s32 s7, s2  }
0x1e: {  	s7 =	smul.u32 @!p0 $0xF7A, s2;
	p2 =	seq.s32 @!p0 s5, $0x0  }
0x1f: {  	s9 =	smul.u32 $0xF7A, s1;
	s8 =	simm.s32 @!p0 $0x1BF5;
	p2 =	por !p2, p0  }
0x20: {  	[sflag:s8] =	ssyncset.s32 @!p0 $0xFFFFF086;
	s6 =	sadd.s32 @!p0 s3, s7;
	s7 =	simm.s32 @!p0 $0x108  }
0x21: {  	s3 =	sadd.s32 s3, s9;
	s6 =	sadd.s32 @!p0 $0x88, s6;
	s7 =	simm.s32 @p2 $0x1082  }
0x22: {  	[simem:s7], [sflag:s8] =	dma.local @!p0 [hbm:s6], $0xF7A  }
0x23: {  	s9 =	sor.u32 $0xD0000000, s2;
	s6 =	simm.s32 $0x108;
	_ =	swait.ge @!p0 [sflag:s8], $0x0  }
0x24: {  	s3 =	sadd.s32 $0x88, s3;
	s6 =	simm.s32 @!p1 $0x1082;
	[sflag:s4] =	ssyncset.s32 $0xFFFFF086  }
0x25: {  	[simem:s6], [sflag:s4] =	dma.local [hbm:s3], $0xF7A  }
0x26: {  	[smem:$0x3F9D] =	sst s1;
	(tag) =	ssettag s2;
	_ =	strace s9  }
0x27: {  	s1 =	sld [smem:$0x3FAD]  }
0x28: {  	s2 =	sld [smem:$0x3FAE]  }
0x29: {  	s4 =	sld [smem:$0x3FB0]  }
0x2a: {  	p0 =	seq.s32 s5, $0x0;
	s5 =	sld [smem:$0x3FB1]  }
0x2b: {  	s6 =	sld [smem:$0x3FB2]  }
0x2c: {  	s7 =	sld [smem:$0x3FB3]  }
0x2d: {  	s3 =	simm.s32 $0x108;
	s8 =	sld [smem:$0x3FB4]  }
0x2e: {  	s3 =	simm.s32 @!p0 $0x1082;
	s9 =	sld [smem:$0x3FB5]  }
0x2f: {  	lr =	sadd.s32 s0, s3;
	s0 =	sld [smem:$0x3FAC]  }
0x30: {  	s3 =	sld [smem:$0x3FAF]  }
0x31: {  	[smem:$0x3FB8] =	sst s10  }
0x32: {  	s10 =	sld [smem:$0x3FB6];
	_ =	sdelay $0x3  }
0x33: {  	p0 =	seq.s32 s10, $0x1;
	s10 =	sld [smem:$0x3FB8];
	_ =	sdelay $0x3  }
0x34: {  	[smem:$0x3FB8] =	sst s10  }
0x35: {  	s10 =	sld [smem:$0x3FB7];
	_ =	sdelay $0x3  }
0x36: {  	p1 =	seq.s32 s10, $0x1;
	s10 =	sld [smem:$0x3FB8];
	_ =	sdelay $0x3  }
0x37: {  	[smem:$0x3FB8] =	sst s10  }
0x38: {  	s10 =	sld [smem:$0x3FB9]  }
0x39: {  	_ = 	snop;
	(pc) =	sbr.ind lr, $3  }
0x3a: {  	_ = 	snop  }
0x3b: {  	_ = 	snop  }
0x3c: {  	p2 =	seq.s32 s10, $0x1;
	s10 =	sld [smem:$0x3FB8]  }
0x3d: {  	_ =	shalt  }
0x3e: {  	_ =	shalt  }
0x3f: {  	_ =	shalt  }
0x40: {  	_ =	shalt  }
0x41: {  	_ =	shalt  }
0x42: {  	_ =	shalt  }
0x43: {  	_ =	shalt  }
0x44: {  	_ =	shalt  }
0x45: {  	_ =	shalt  }
0x46: {  	_ =	shalt  }
0x47: {  	_ =	shalt  }
0x48: {  	_ =	shalt  }
0x49: {  	_ =	shalt  }
0x4a: {  	_ =	shalt  }
0x4b: {  	_ =	shalt  }
0x4c: {  	_ =	shalt  }
0x4d: {  	_ =	shalt  }
0x4e: {  	_ =	shalt  }
0x4f: {  	_ =	shalt  }
0x50: {  	_ =	shalt  }
0x51: {  	_ =	shalt  }
0x52: {  	_ =	shalt  }
0x53: {  	_ =	shalt  }
0x54: {  	_ =	shalt  }
0x55: {  	_ =	shalt  }
0x56: {  	_ =	shalt  }
0x57: {  	_ =	shalt  }
0x58: {  	_ =	shalt  }
0x59: {  	_ =	shalt  }
0x5a: {  	_ =	shalt  }
0x5b: {  	_ =	shalt  }
0x5c: {  	_ =	shalt  }
0x5d: {  	_ =	shalt  }
0x5e: {  	_ =	shalt  }
0x5f: {  	_ =	shalt  }
0x60: {  	_ =	shalt  }
0x61: {  	_ =	shalt  }
0x62: {  	_ =	shalt  }
0x63: {  	_ =	shalt  }
0x64: {  	_ =	shalt  }
0x65: {  	_ =	shalt  }
0x66: {  	_ =	shalt  }
0x67: {  	_ =	shalt  }
0x68: {  	_ =	shalt  }
0x69: {  	_ =	shalt  }
0x6a: {  	_ =	shalt  }
0x6b: {  	_ =	shalt  }
0x6c: {  	_ =	shalt  }
0x6d: {  	_ =	shalt  }
0x6e: {  	_ =	shalt  }
0x6f: {  	_ =	shalt  }
0x70: {  	_ =	shalt  }
0x71: {  	_ =	shalt  }
0x72: {  	_ =	shalt  }
0x73: {  	_ =	shalt  }
0x74: {  	_ =	shalt  }
0x75: {  	_ =	shalt  }
0x76: {  	_ =	shalt  }
0x77: {  	_ =	shalt  }
0x78: {  	_ =	shalt  }
0x79: {  	_ =	shalt  }
0x7a: {  	_ =	shalt  }
0x7b: {  	_ =	shalt  }
0x7c: {  	_ =	shalt  }
0x7d: {  	_ =	shalt  }
0x7e: {  	_ =	shalt  }
0x7f: {  	_ =	shalt  }
0x80: {  	_ =	shalt  }
0x81: {  	_ =	shalt  }
0x82: {  	_ =	shalt  }
0x83: {  	_ =	shalt  }
0x84: {  	_ =	shalt  }
0x85: {  	_ =	shalt  }
0x86: {  	_ =	shalt  }
0x87: {  	_ =	shalt  }
.Lfunc_end0:
.L_simem_size_0:
called_computation_lowered:
.L_overlay_start_0:
0x88: {  	s2 =	sld [smem:$0x3FD9]  }
0x89: {  	s3 =	sld [smem:$0x3FFE];
	_ =	sdelay $0x1  }
0x8a: {  	s1 =	srdreg.scid  }
0x8b: {  	s0 =	sand.u32 $0x1, s1  }
0x8c: {  	s17 =	sshll.u32 s0, $0xA;
	s2 =	sadd.s32 s3, s2  }
0x8d: {  	s2 =	sadd.s32 s2, s17  }
0x8e: {  	[smem:$0x3FC4] =	sst s2  }
0x8f: {  	_ = 	snop  }
0x90: {  	s2 =	sld [smem:$0x3FD0];
	(tm) =	ssettm $0x1  }
0x91: {  	s18 =	sld [smem:$0x3FFB];
	_ =	sdelay $0x3  }
0x92: {  	_ =	strace s18  }
0x93: {  	s3 =	sld [smem:$0x3FFC];
	_ =	sdelay $0x3  }
0x94: {  	_ =	strace s3  }
0x95: {  	s3 =	sld [smem:$0x3FFD];
	_ =	sdelay $0x3  }
0x96: {  	_ =	strace s3  }
0x97: {  	_ =	strace $0x8FFFFFFF  }
0x98: {  	s19 =	sld [smem:$0x3FDB];
	_ =	sdelay $0x1  }
0x99: {  	s4 =	simm.s32 $_scs_section_size  }
0x9a: {  	s5 =	simm.s32 $_size__tile_overlayer_lowered;
	s6 =	simm.s32 $_tile_overlayer_lowered  }
0x9b: {  	s22 =	simm.s32 $0x1BFF;
	s21 =	sshll.u32 s6, $0x1;
	s3 =	sadd.s32 s4, s19  }
0x9c: {  	s7 =	simm.s32 $0x0;
	s20 =	sshll.u32 s5, $0x1;
	s5 =	sadd.s32 s21, s3  }
0x9d: {  	[timem:s7], [sflag:s22] =	dma.local [hbm:s5], s20  }
0x9e: {  	_ =	swait.ge [sflag:s22], s20  }
0x9f: {  	s4 =	ssub.s32 $0x0, s20;
	[sflag:s22] =	ssyncset.done $0x0  }
0xa0: {  	[sflag:s22] =	ssyncadd.s32 s4;
	_ =	sdelay $0x1  }
0xa1: {  	s23 =	simm.s32 $0x1B8B  }
0xa2: {  	_ =	swait.ge [sflag:s23], $0x1  }
0xa3: {  	[sflag:s23] =	ssyncset.done $0x0  }
0xa4: {  	s25 =	simm.s32 $0x1B8E;
	s24 =	sld [smem:$0x3FFE];
	[sflag:s23] =	ssyncadd.s32 $0xFFFFFFFF  }
0xa5: {  	s26 =	simm.s32 $execute0_lowered;
	[smem:$0x3FD2] =	sst s25  }
0xa6: {  	s5 =	sshll.u32 s26, $0x1;
	_ =	strace $0x80000046;
	[dreg:$0x1] =	wrdreg $0xFFFFFFFF  }
0xa7: {  	s28 =	simm.s32 $_size_execute0_lowered;
	s3 =	sadd.s32 s3, s5;
	[dreg:$0x0] =	wrdreg $0x0  }
0xa8: {  	s5 =	sshll.u32 s28, $0x1;
	[dreg:$0x2] =	wrdreg s3  }
0xa9: {  	[dreg:$0x3] =	wrdreg s5  }
0xaa: {  	[dreg:$0x4] =	wrdreg $0xC0  }
0xab: {  	_ =	task [dreg:s7], $0x5FFFF  }
0xac: {  	[dreg:$0x1] =	wrdreg $0xFFFFFFFF  }
0xad: {  	[dreg:$0x0] =	wrdreg $0x60  }
0xae: {  	[dreg:$0x2] =	wrdreg s24  }
0xaf: {  	[dreg:$0x3] =	wrdreg s2  }
0xb0: {  	[dreg:$0x4] =	wrdreg $0x9  }
0xb1: {  	_ =	task.clear_ibuf [dreg:s7], $0x5FFFF;
	_ =	strace $0x90000046  }
0xb2: {  	s29 =	simm.s32 $0x9;
	_ =	strace $0x80000048  }
0xb3: {  	_ =	swait.ge [sflag:s29], $0x1  }
0xb4: {  	[sflag:s29] =	ssyncadd.s32 $0xFFFFFFFF  }
0xb5: {  	_ =	strace $0x90000048  }
0xb6: {  	_ =	sfence  }
0xb7: {  	s30 =	sld [smem:$0x0];
	_ =	sdelay $0x2  }
0xb8: {  	s31 =	sshll.u32 s1, $0xD;
	s1 =	sshrl.u32 s1, $0x2  }
0xb9: {  	s3 =	sand.u32 $0x4000, s31;
	s1 =	sadd.s32 s1, s30  }
0xba: {  	s0 =	sor.u32 s3, s0;
	s1 =	sshll.u32 s1, $0x11  }
0xbb: {  	s0 =	sor.u32 s1, s0  }
0xbc: {  	s0 =	sadd.s32 $0x8F2B, s0  }
0xbd: {  	[sflag:s0] =	ssyncadd.remote.s32 $0x1  }
0xbe: {  	_ =	sfence.sel $0xFFFF  }
0xbf: {  	[dreg:$0x0] =	wrdreg $0xFFFFFFFF;
	(pc) =	sbr.abs _section_cstart, $3  }
0xc0: {  	[dreg:$0x1] =	wrdreg $0xFFFFFFFF  }
0xc1: {  	_ =	task.clear_ibuf [dreg:s7], $0x2FFFF;
	_ =	strace $0x9FFFFFFF  }
0xc2: {  	(tm) =	ssettm $0x7FFFFFFF  }
0xc3: {  	_ =	shalt  }
tec
execute0_lowered:
.L_overlay_start_1:
0x0: {  	(tag) =	ssettag $0x1  }
0x1: {  	s0 =	rddreg [dreg:$0x0]  }
0x2: {  	s1 =	rddreg [dreg:$0x1];
	s3 =	simm.s32 $0x0  }
0x3: {  	[smem:$0x7FF] =	sst s3;
	s2 =	sadd.s32 $0x196B400, s0  }
0x4: {  	s4 =	sadd.s32 $0x1939400, s0;
	_ =	strace $0x80000047;
	[dreg:$0x13] =	wrdreg s2  }
0x5: {  	s5 =	sadd.s32 $0x199D400, s0;
	[dreg:$0x14] =	wrdreg s4  }
0x6: {  	s11 =	simm.s32 $0x3800;
	[dreg:$0x15] =	wrdreg s5  }
0x7: {  	s13 =	simm.s32 $0x4000;
	[dreg:$0x4] =	wrdreg s11  }
0x8: {  	s6 =	stileid.u32;
	s14 =	simm.s32 $0x4800;
	[dreg:$0x5] =	wrdreg s13  }
0x9: {  	s7 =	srdreg.scid;
	s15 =	simm.s32 $0x5000;
	[dreg:$0x6] =	wrdreg s14  }
0xa: {  	s16 =	simm.s32 $0x5800;
	s17 =	simm.s32 $0x6000;
	[dreg:$0x7] =	wrdreg s15  }
0xb: {  	s18 =	simm.s32 $0x6800;
	s19 =	simm.s32 $0x7000;
	[dreg:$0x8] =	wrdreg s16  }
0xc: {  	s20 =	simm.s32 $0x7800;
	s21 =	simm.s32 $0x8000;
	[dreg:$0x9] =	wrdreg s17  }
0xd: {  	s22 =	simm.s32 $0x8800;
	s23 =	simm.s32 $0x9000;
	[dreg:$0xa] =	wrdreg s18  }
0xe: {  	s24 =	simm.s32 $0x9800;
	s25 =	simm.s32 $0xA000;
	[dreg:$0xb] =	wrdreg s19  }
0xf: {  	s26 =	simm.s32 $0xB000;
	s28 =	simm.s32 $0xF800;
	[dreg:$0xc] =	wrdreg s20  }
0x10: {  	s29 =	simm.s32 $0x10000;
	s30 =	simm.s32 $0x10800;
	[dreg:$0xd] =	wrdreg s21  }
0x11: {  	s31 =	simm.s32 $0x11000;
	s8 =	smul.u32 $0x640000, s6;
	[dreg:$0xe] =	wrdreg s22  }
0x12: {  	s12 =	sshll.u32 s6, $0x1;
	s6 =	simm.s32 $0x0;
	[dreg:$0xf] =	wrdreg s23  }
0x13: {  	s2 =	sand.u32 $0x1, s7;
	s7 =	sadd.s32 $0x1907400, s0;
	[dreg:$0x10] =	wrdreg s24  }
0x14: {  	s16 =	simm.s32 $0x2800;
	[dreg:$0x11] =	wrdreg s25;
	s17 =	simm.s32 $0x1  }
0x15: {  	s18 =	simm.s32 $0xA800;
	[dreg:$0x12] =	wrdreg s26;
	s19 =	simm.s32 $0xB800  }
0x16: {  	s20 =	simm.s32 $0xC000;
	s21 =	simm.s32 $0xC800;
	s22 =	simm.s32 $0xD000  }
0x17: {  	s23 =	simm.s32 $0xD800;
	s24 =	simm.s32 $0xE000;
	s9 =	ssub.s32 $0x2, s2  }
0x18: {  	s0 =	sadd.s32 s8, s0;
	s8 =	simm.s32 $0x3000;
	s10 =	sshrl.u32 s9, $0x1  }
0x19: {  	[dreg:$0x3] =	wrdreg s8;
	s8 =	sor.u32 s2, s12;
	s2 =	smul.u32 $0x320000, s2  }
0x1a: {  	s25 =	simm.s32 $0xE800;
	s4 =	ssub.s32 s9, s10;
	s10 =	smul.u32 $0x190, s8  }
0x1b: {  	s26 =	simm.s32 $0xF000;
	s12 =	simm.s32 $0x5;
	s8 =	smul.u32 $0xC800, s8  }
0x1c: {  	v3 =	vlaneseq.u32;
	s9 =	sadd.s32 $0x100, s1;
	s4 =	smax.u32 s4, $0x1;
	s0 =	sadd.s32 s2, s0  }
0x1d: {  	vm0 =	vmmov $0xffff;
	v1 =	vand.u32 $0x7, v3;
	v2 =	vshrl.u32 v3, $0x3;
	s2 =	simm.s32 $0x12000;
	[dreg:$0x16] =	wrdreg s4;
	s0 =	sadd.s32 $0x19CF400, s0  }
0x1e: {  	v3 =	vor.u32 $0x8, v3;
	v2 =	vmul.u32 $0x8, v2;
	v0 =	vmov s10;
	s10 =	simm.s32 $0x2;
	[dreg:$0x17] =	wrdreg s0;
	s0 =	simm.s32 $0x11800  }
.LBB2_1:
0x1f: {  	[dreg:$0x18] =	wrdreg s6  }
0x20: {  	s4 =	rddreg [dreg:$0x17];
	s13 =	simm.s32 $0x0  }
.LBB2_2:
0x21: {  	s5 =	sshll.u32 s13, $0xB  }
0x22: {  	s5 =	sadd.s32 s8, s5  }
0x23: {  	s6 =	rddreg [dreg:$0x13];
	s5 =	sshrl.u32 s5, $0x3  }
0x24: {  	s14 =	simm.s32 $0x0;
	s11 =	sadd.s32 s6, s5  }
0x25: {  	[tilespmem:s14], [sflag:$0x5] =	stream.linear.gather [hbm4b:s11+s14], $0x800, $0x38;
	[tilespmem:$0x12800] =	vst v63  }
0x26: {  	_ =	swait.ge [sflag:s12], $0x800  }
0x27: {  	[sflag:s12] =	ssyncset.done $0x0;
	s15 =	rddreg [dreg:$0x14]  }
0x28: {  	[sflag:s12] =	ssyncadd.s32 $0xFFFFF800;
	s6 =	sadd.s32 s15, s5;
	s15 =	simm.s32 $0x800  }
0x29: {  	[tilespmem:s15], [sflag:$0x5] =	stream.linear.gather [hbm4b:s6+s14], $0x800, $0x38;
	[tilespmem:$0x12800] =	vst v63  }
0x2a: {  	_ =	swait.ge [sflag:s12], $0x800  }
0x2b: {  	[sflag:s12] =	ssyncset.done $0x0;
	s15 =	rddreg [dreg:$0x15]  }
0x2c: {  	[sflag:s12] =	ssyncadd.s32 $0xFFFFF800;
	s6 =	sadd.s32 s15, s5;
	s15 =	simm.s32 $0x1000  }
0x2d: {  	[tilespmem:s15], [sflag:$0x5] =	stream.linear.gather [hbm4b:s6+s14], $0x800, $0x38;
	[tilespmem:$0x12800] =	vst v63  }
0x2e: {  	_ =	swait.ge [sflag:s12], $0x800  }
0x2f: {  	[sflag:s12] =	ssyncset.done $0x0  }
0x30: {  	s5 =	sadd.s32 s7, s5;
	s15 =	simm.s32 $0x1800;
	[sflag:s12] =	ssyncadd.s32 $0xFFFFF800  }
0x31: {  	[tilespmem:s15], [sflag:$0x5] =	stream.linear.gather [hbm4b:s5+s14], $0x800, $0x38;
	[tilespmem:$0x12800] =	vst v63  }
0x32: {  	_ =	swait.ge [sflag:s12], $0x800  }
0x33: {  	[sflag:s12] =	ssyncset.done $0x0  }
0x34: {  	s11 =	simm.s32 $0x0;
	[sflag:s12] =	ssyncadd.s32 $0xFFFFF800  }
0x35: {  	v4 =	vld [tilespmem:s11+$0x0]  }
0x36: {  	v5 =	vld [tilespmem:s11+$0x800]  }
0x37: {  	v6 =	vld [tilespmem:s11+$0x1000]  }
0x38: {  	v7 =	vld [tilespmem:s11+$0x1800];
	_ =	sdelay $0x1  }
0x39: {  	s15 =	simm.s32 $0x10;
	v8 =	vmul.u32 $0x5, v4  }
0x3a: {  	v4 =	vld [tilespmem:s15+$0x0]  }
0x3b: {  	v9 =	vmul.u32 $0x5, v6;
	v6 =	vld [tilespmem:s15+$0x1000];
	v8 =	vadd.s32 v5, v8  }
0x3c: {  	v7 =	vadd.s32 v0, v7;
	v5 =	vld [tilespmem:s15+$0x800];
	v8 =	vmul.u32 $0x14, v8  }
0x3d: {  	v9 =	vadd.s32 v9, v7;
	v7 =	vld [tilespmem:s15+$0x1800]  }
0x3e: {  	s5 =	simm.s32 $0x80;
	v8 =	vadd.s32 v8, v9  }
.LBB2_3:
0x3f: {  	s6 =	sshra.s32 s5, $0x2;
	p0 =	sne.s32 s5, $0x1FC0;
	s5 =	sadd.s32 $0x40, s5;
	v9 =	vmul.u32 $0x5, v4;
	[tilespmem:s11+$0x2000] =	vst v8  }
.Ltmp0:
0x40: {  	s11 =	smov.u32 s15;
	v4 =	vld [tilespmem:s6+$0x0];
	s15 =	smov.u32 s6;
	(pc) =	sbr.rel @p0 .LBB2_3-.Ltmp0, $4  }
0x41: {  	v8 =	vadd.s32 v5, v9;
	v5 =	vld [tilespmem:s15+$0x800];
	v9 =	vmul.u32 $0x5, v6  }
0x42: {  	v6 =	vld [tilespmem:s15+$0x1000];
	v8 =	vmul.u32 $0x14, v8;
	v10 =	vadd.s32 v0, v7  }
0x43: {  	v7 =	vld [tilespmem:s15+$0x1800];
	v9 =	vadd.s32 v9, v10  }
0x44: {  	v8 =	vadd.s32 v8, v9  }
0x45: {  	v4 =	vmul.u32 $0x5, v4;
	_ =	sdelay $0x1  }
0x46: {  	v4 =	vadd.s32 v5, v4;
	v5 =	vmul.u32 $0x5, v6  }
0x47: {  	v4 =	vmul.u32 $0x14, v4;
	v63 =	vadd.s32 v0, v7  }
0x48: {  	v5 =	vadd.s32 v5, v63  }
0x49: {  	[tilespmem:s11+$0x2000] =	vst v8;
	v4 =	vadd.s32 v4, v5  }
0x4a: {  	s11 =	smov.u32 s4;
	[tilespmem:s15+$0x2000] =	vst v4;
	s15 =	simm.s32 $0x2040  }
.LBB2_5:
0x4b: {  	s5 =	sor.u32 s13, s14  }
0x4c: {  	p0 =	seq.s32 s5, $0x0  }
0x4d: {  	s5 =	simm.s32 @!p0 $0x3  }
0x4e: {  	_ =	swait.ge @!p0 [sflag:s5], $0x8000  }
0x4f: {  	[sflag:s5] =	ssyncset.done @!p0 $0x0  }
0x50: {  	[sflag:s5] =	ssyncadd.s32 @!p0 $0xFFFF8000  }
0x51: {  	v4 =	vld [tilespmem:s15+$0xFFFFFFC0];
	_ =	sdelay $0x4  }
0x52: {  	v5 =	vshll.u32 v4, $0x2  }
0x53: {  	v4 =	vand.u32 $0x7, v4;
	v5 =	vand.u32 $0xFFFFFFE0, v5  }
0x54: {  	v4 =	vor.u32 v4, v5  }
0x55: {  	v5 =	vperm.xlane v4, v1;
	_ =	sdelay $0x1  }
0x56: {  	v5 =	vadd.s32 v2, v5;
	_ =	sdelay $0x1  }
0x57: {  	v4 =	vperm.xlane v4, v3;
	_ =	sdelay $0x1  }
0x58: {  	v4 =	vadd.s32 v2, v4  }
0x59: {  	[tilespmem:s16], [sflag:$0x1] =	stream.indirect_vreg.gather [hbm4b:s1+s3], $0x80, v5, vm0, $0xb8;
	[tilespmem:$0x12800] =	vst v63  }
0x5a: {  	s5 =	rddreg [dreg:$0x3]  }
0x5b: {  	[tilespmem:s5], [sflag:$0x1] =	stream.indirect_vreg.gather [hbm4b:s9+s3], $0x80, v5, vm0, $0xb8;
	[tilespmem:$0x12800] =	vst v63  }
0x5c: {  	s6 =	rddreg [dreg:$0x4]  }
0x5d: {  	[tilespmem:s6], [sflag:$0x1] =	stream.indirect_vreg.gather [hbm4b:s1+s3], $0x80, v4, vm0, $0xb8;
	[tilespmem:$0x12800] =	vst v63  }
0x5e: {  	s5 =	rddreg [dreg:$0x5]  }
0x5f: {  	[tilespmem:s5], [sflag:$0x1] =	stream.indirect_vreg.gather [hbm4b:s9+s3], $0x80, v4, vm0, $0xb8;
	[tilespmem:$0x12800] =	vst v63  }
0x60: {  	v4 =	vld [tilespmem:s15+$0xFFFFFFD0];
	_ =	sdelay $0x4  }
0x61: {  	v5 =	vshll.u32 v4, $0x2  }
0x62: {  	v4 =	vand.u32 $0x7, v4;
	v5 =	vand.u32 $0xFFFFFFE0, v5  }
0x63: {  	v4 =	vor.u32 v4, v5  }
0x64: {  	v5 =	vperm.xlane v4, v1;
	_ =	sdelay $0x1  }
0x65: {  	v5 =	vadd.s32 v2, v5;
	_ =	sdelay $0x1  }
0x66: {  	v4 =	vperm.xlane v4, v3;
	_ =	sdelay $0x1  }
0x67: {  	s5 =	rddreg [dreg:$0x6];
	v4 =	vadd.s32 v2, v4  }
0x68: {  	[tilespmem:s5], [sflag:$0x1] =	stream.indirect_vreg.gather [hbm4b:s1+s3], $0x80, v5, vm0, $0xb8;
	[tilespmem:$0x12800] =	vst v63  }
0x69: {  	s6 =	rddreg [dreg:$0x7]  }
0x6a: {  	[tilespmem:s6], [sflag:$0x1] =	stream.indirect_vreg.gather [hbm4b:s9+s3], $0x80, v5, vm0, $0xb8;
	[tilespmem:$0x12800] =	vst v63  }
0x6b: {  	s5 =	rddreg [dreg:$0x8]  }
0x6c: {  	[tilespmem:s5], [sflag:$0x1] =	stream.indirect_vreg.gather [hbm4b:s1+s3], $0x80, v4, vm0, $0xb8;
	[tilespmem:$0x12800] =	vst v63  }
0x6d: {  	s6 =	rddreg [dreg:$0x9]  }
0x6e: {  	[tilespmem:s6], [sflag:$0x1] =	stream.indirect_vreg.gather [hbm4b:s9+s3], $0x80, v4, vm0, $0xb8;
	[tilespmem:$0x12800] =	vst v63  }
0x6f: {  	v4 =	vld [tilespmem:s15+$0xFFFFFFE0];
	_ =	sdelay $0x4  }
0x70: {  	v5 =	vshll.u32 v4, $0x2  }
0x71: {  	v4 =	vand.u32 $0x7, v4;
	v5 =	vand.u32 $0xFFFFFFE0, v5  }
0x72: {  	v4 =	vor.u32 v4, v5  }
0x73: {  	v5 =	vperm.xlane v4, v1;
	_ =	sdelay $0x1  }
0x74: {  	v5 =	vadd.s32 v2, v5;
	_ =	sdelay $0x1  }
0x75: {  	v4 =	vperm.xlane v4, v3;
	_ =	sdelay $0x1  }
0x76: {  	s5 =	rddreg [dreg:$0xa];
	v4 =	vadd.s32 v2, v4  }
0x77: {  	[tilespmem:s5], [sflag:$0x1] =	stream.indirect_vreg.gather [hbm4b:s1+s3], $0x80, v5, vm0, $0xb8;
	[tilespmem:$0x12800] =	vst v63  }
0x78: {  	s6 =	rddreg [dreg:$0xb]  }
0x79: {  	[tilespmem:s6], [sflag:$0x1] =	stream.indirect_vreg.gather [hbm4b:s9+s3], $0x80, v5, vm0, $0xb8;
	[tilespmem:$0x12800] =	vst v63  }
0x7a: {  	s5 =	rddreg [dreg:$0xc]  }
0x7b: {  	[tilespmem:s5], [sflag:$0x1] =	stream.indirect_vreg.gather [hbm4b:s1+s3], $0x80, v4, vm0, $0xb8;
	[tilespmem:$0x12800] =	vst v63  }
0x7c: {  	s6 =	rddreg [dreg:$0xd]  }
0x7d: {  	[tilespmem:s6], [sflag:$0x1] =	stream.indirect_vreg.gather [hbm4b:s9+s3], $0x80, v4, vm0, $0xb8;
	[tilespmem:$0x12800] =	vst v63  }
0x7e: {  	v4 =	vld [tilespmem:s15+$0xFFFFFFF0];
	_ =	sdelay $0x4  }
0x7f: {  	v5 =	vshll.u32 v4, $0x2  }
0x80: {  	v4 =	vand.u32 $0x7, v4;
	v5 =	vand.u32 $0xFFFFFFE0, v5  }
0x81: {  	v4 =	vor.u32 v4, v5  }
0x82: {  	v5 =	vperm.xlane v4, v1;
	_ =	sdelay $0x1  }
0x83: {  	v5 =	vadd.s32 v2, v5;
	_ =	sdelay $0x1  }
0x84: {  	v4 =	vperm.xlane v4, v3;
	_ =	sdelay $0x1  }
0x85: {  	s5 =	rddreg [dreg:$0xe];
	v4 =	vadd.s32 v2, v4  }
0x86: {  	[tilespmem:s5], [sflag:$0x1] =	stream.indirect_vreg.gather [hbm4b:s1+s3], $0x80, v5, vm0, $0xb8;
	[tilespmem:$0x12800] =	vst v63  }
0x87: {  	s6 =	rddreg [dreg:$0xf]  }
0x88: {  	[tilespmem:s6], [sflag:$0x1] =	stream.indirect_vreg.gather [hbm4b:s9+s3], $0x80, v5, vm0, $0xb8;
	[tilespmem:$0x12800] =	vst v63  }
0x89: {  	s5 =	rddreg [dreg:$0x10]  }
0x8a: {  	[tilespmem:s5], [sflag:$0x1] =	stream.indirect_vreg.gather [hbm4b:s1+s3], $0x80, v4, vm0, $0xb8;
	[tilespmem:$0x12800] =	vst v63  }
0x8b: {  	s6 =	rddreg [dreg:$0x11]  }
0x8c: {  	[tilespmem:s6], [sflag:$0x1] =	stream.indirect_vreg.gather [hbm4b:s9+s3], $0x80, v4, vm0, $0xb8;
	[tilespmem:$0x12800] =	vst v63  }
0x8d: {  	_ =	swait.ge [sflag:s17], $0x8000  }
0x8e: {  	[sflag:s17] =	ssyncset.done $0x0  }
0x8f: {  	s5 =	simm.s32 @!p0 $0x4;
	[sflag:s17] =	ssyncadd.s32 $0xFFFF8000  }
0x90: {  	[hbm4b:s11+s3] =	stream.linear.scatter [tilespmem:s16], [sflag:$0x3], $0x8000, $0x38;
	[tilespmem:$0x12800] =	vst v63  }
0x91: {  	_ =	swait.ge @!p0 [sflag:s5], $0x8000  }
0x92: {  	[sflag:s5] =	ssyncset.done @!p0 $0x0  }
0x93: {  	[sflag:s5] =	ssyncadd.s32 @!p0 $0xFFFF8000  }
0x94: {  	v4 =	vld [tilespmem:s15+$0x0];
	_ =	sdelay $0x4  }
0x95: {  	v5 =	vshll.u32 v4, $0x2  }
0x96: {  	v4 =	vand.u32 $0x7, v4;
	v5 =	vand.u32 $0xFFFFFFE0, v5  }
0x97: {  	v4 =	vor.u32 v4, v5  }
0x98: {  	v5 =	vperm.xlane v4, v1;
	_ =	sdelay $0x1  }
0x99: {  	v5 =	vadd.s32 v2, v5;
	_ =	sdelay $0x1  }
0x9a: {  	v4 =	vperm.xlane v4, v3;
	_ =	sdelay $0x1  }
0x9b: {  	v4 =	vadd.s32 v2, v4  }
0x9c: {  	[tilespmem:s18], [sflag:$0x2] =	stream.indirect_vreg.gather [hbm4b:s1+s3], $0x80, v5, vm0, $0xb8;
	[tilespmem:$0x12800] =	vst v63  }
0x9d: {  	s6 =	rddreg [dreg:$0x12]  }
0x9e: {  	[tilespmem:s6], [sflag:$0x2] =	stream.indirect_vreg.gather [hbm4b:s9+s3], $0x80, v5, vm0, $0xb8;
	[tilespmem:$0x12800] =	vst v63  }
0x9f: {  	_ = 	snop  }
0xa0: {  	[tilespmem:s19], [sflag:$0x2] =	stream.indirect_vreg.gather [hbm4b:s1+s3], $0x80, v4, vm0, $0xb8;
	[tilespmem:$0x12800] =	vst v63  }
0xa1: {  	_ = 	snop  }
0xa2: {  	[tilespmem:s20], [sflag:$0x2] =	stream.indirect_vreg.gather [hbm4b:s9+s3], $0x80, v4, vm0, $0xb8;
	[tilespmem:$0x12800] =	vst v63  }
0xa3: {  	v4 =	vld [tilespmem:s15+$0x10];
	_ =	sdelay $0x4  }
0xa4: {  	v5 =	vshll.u32 v4, $0x2  }
0xa5: {  	v4 =	vand.u32 $0x7, v4;
	v5 =	vand.u32 $0xFFFFFFE0, v5  }
0xa6: {  	v4 =	vor.u32 v4, v5  }
0xa7: {  	v5 =	vperm.xlane v4, v1;
	_ =	sdelay $0x1  }
0xa8: {  	v5 =	vadd.s32 v2, v5;
	_ =	sdelay $0x1  }
0xa9: {  	v4 =	vperm.xlane v4, v3;
	_ =	sdelay $0x1  }
0xaa: {  	v4 =	vadd.s32 v2, v4  }
0xab: {  	[tilespmem:s21], [sflag:$0x2] =	stream.indirect_vreg.gather [hbm4b:s1+s3], $0x80, v5, vm0, $0xb8;
	[tilespmem:$0x12800] =	vst v63  }
0xac: {  	_ = 	snop  }
0xad: {  	[tilespmem:s22], [sflag:$0x2] =	stream.indirect_vreg.gather [hbm4b:s9+s3], $0x80, v5, vm0, $0xb8;
	[tilespmem:$0x12800] =	vst v63  }
0xae: {  	_ = 	snop  }
0xaf: {  	[tilespmem:s23], [sflag:$0x2] =	stream.indirect_vreg.gather [hbm4b:s1+s3], $0x80, v4, vm0, $0xb8;
	[tilespmem:$0x12800] =	vst v63  }
0xb0: {  	_ = 	snop  }
0xb1: {  	[tilespmem:s24], [sflag:$0x2] =	stream.indirect_vreg.gather [hbm4b:s9+s3], $0x80, v4, vm0, $0xb8;
	[tilespmem:$0x12800] =	vst v63  }
0xb2: {  	v4 =	vld [tilespmem:s15+$0x20];
	_ =	sdelay $0x4  }
0xb3: {  	v5 =	vshll.u32 v4, $0x2  }
0xb4: {  	v4 =	vand.u32 $0x7, v4;
	v5 =	vand.u32 $0xFFFFFFE0, v5  }
0xb5: {  	v4 =	vor.u32 v4, v5  }
0xb6: {  	v5 =	vperm.xlane v4, v1;
	_ =	sdelay $0x1  }
0xb7: {  	v5 =	vadd.s32 v2, v5;
	_ =	sdelay $0x1  }
0xb8: {  	v4 =	vperm.xlane v4, v3;
	_ =	sdelay $0x1  }
0xb9: {  	v4 =	vadd.s32 v2, v4  }
0xba: {  	[tilespmem:s25], [sflag:$0x2] =	stream.indirect_vreg.gather [hbm4b:s1+s3], $0x80, v5, vm0, $0xb8;
	[tilespmem:$0x12800] =	vst v63  }
0xbb: {  	_ = 	snop  }
0xbc: {  	[tilespmem:s26], [sflag:$0x2] =	stream.indirect_vreg.gather [hbm4b:s9+s3], $0x80, v5, vm0, $0xb8;
	[tilespmem:$0x12800] =	vst v63  }
0xbd: {  	_ = 	snop  }
0xbe: {  	[tilespmem:s28], [sflag:$0x2] =	stream.indirect_vreg.gather [hbm4b:s1+s3], $0x80, v4, vm0, $0xb8;
	[tilespmem:$0x12800] =	vst v63  }
0xbf: {  	_ = 	snop  }
0xc0: {  	[tilespmem:s29], [sflag:$0x2] =	stream.indirect_vreg.gather [hbm4b:s9+s3], $0x80, v4, vm0, $0xb8;
	[tilespmem:$0x12800] =	vst v63  }
0xc1: {  	v4 =	vld [tilespmem:s15+$0x30];
	_ =	sdelay $0x4  }
0xc2: {  	v5 =	vshll.u32 v4, $0x2  }
0xc3: {  	v4 =	vand.u32 $0x7, v4;
	v5 =	vand.u32 $0xFFFFFFE0, v5  }
0xc4: {  	v4 =	vor.u32 v4, v5  }
0xc5: {  	v5 =	vperm.xlane v4, v1;
	_ =	sdelay $0x1  }
0xc6: {  	v5 =	vadd.s32 v2, v5;
	_ =	sdelay $0x1  }
0xc7: {  	v4 =	vperm.xlane v4, v3;
	_ =	sdelay $0x1  }
0xc8: {  	v4 =	vadd.s32 v2, v4  }
0xc9: {  	[tilespmem:s30], [sflag:$0x2] =	stream.indirect_vreg.gather [hbm4b:s1+s3], $0x80, v5, vm0, $0xb8;
	[tilespmem:$0x12800] =	vst v63  }
0xca: {  	_ = 	snop  }
0xcb: {  	[tilespmem:s31], [sflag:$0x2] =	stream.indirect_vreg.gather [hbm4b:s9+s3], $0x80, v5, vm0, $0xb8;
	[tilespmem:$0x12800] =	vst v63  }
0xcc: {  	s14 =	sadd.s32 $0x1, s14  }
0xcd: {  	[tilespmem:s0], [sflag:$0x2] =	stream.indirect_vreg.gather [hbm4b:s1+s3], $0x80, v4, vm0, $0xb8;
	[tilespmem:$0x12800] =	vst v63  }
0xce: {  	p0 =	sne.s32 s14, $0x10  }
0xcf: {  	[tilespmem:s2], [sflag:$0x2] =	stream.indirect_vreg.gather [hbm4b:s9+s3], $0x80, v4, vm0, $0xb8;
	[tilespmem:$0x12800] =	vst v63  }
.Ltmp1:
0xd0: {  	_ = 	snop;
	(pc) =	sbr.rel @p0 .LBB2_5-.Ltmp1, $4  }
0xd1: {  	_ =	swait.ge [sflag:s10], $0x8000  }
0xd2: {  	s6 =	sadd.s32 $0x1000, s11;
	[sflag:s10] =	ssyncset.done $0x0  }
0xd3: {  	s11 =	sadd.s32 $0x2000, s11;
	s15 =	sadd.s32 $0x80, s15;
	[sflag:s10] =	ssyncadd.s32 $0xFFFF8000  }
0xd4: {  	[hbm4b:s6+s3] =	stream.linear.scatter [tilespmem:s18], [sflag:$0x4], $0x8000, $0x38;
	[tilespmem:$0x12800] =	vst v63  }
0xd5: {  	s13 =	sadd.s32 $0x1, s13  }
0xd6: {  	p0 =	sne.s32 s13, $0x19  }
.Ltmp2:
0xd7: {  	_ = 	snop;
	(pc) =	sbr.rel @p0 .LBB2_2-.Ltmp2, $2  }
0xd8: {  	_ =	sdelay $0x2  }
0xd9: {  	s4 =	sadd.s32 $0x20000, s4  }
0xda: {  	s4 =	simm.s32 $0x3  }
0xdb: {  	_ =	swait.ge [sflag:s4], $0x8000  }
0xdc: {  	[sflag:s4] =	ssyncset.done $0x0  }
0xdd: {  	s5 =	simm.s32 $0x4;
	[sflag:s4] =	ssyncadd.s32 $0xFFFF8000  }
0xde: {  	_ =	swait.ge [sflag:s5], $0x8000  }
0xdf: {  	s6 =	rddreg [dreg:$0x18]  }
0xe0: {  	s15 =	rddreg [dreg:$0x16];
	s6 =	sadd.s32 $0x1, s6  }
0xe1: {  	p0 =	sne.s32 s6, s15  }
.Ltmp3:
0xe2: {  	_ = 	snop;
	(pc) =	sbr.rel @p0 .LBB2_1-.Ltmp3, $3  }
0xe3: {  	_ =	sdelay $0x1  }
0xe4: {  	[sflag:s5] =	ssyncset.done $0x0  }
0xe5: {  	[sflag:s5] =	ssyncadd.s32 $0xFFFF8000  }
0xe6: {  	_ =	sfence.sel $0x180000  }
0xe7: {  	[bflag:$0x0] =	sbarrier.arrive $0xFFFF  }
0xe8: {  	_ =	strace $0x90000047  }
0xe9: {  	s0 =	stileid.u32;
	[bflag:$0x2] =	sbarrier.arrive $0xFFFF  }
0xea: {  	p0 =	sne.s32 s0, $0x0;
	s0 =	rddreg [dreg:$0x2]  }
0xeb: {  	s0 =	sadd.s32 @!p0 $0x100000, s0  }
0xec: {  	[sflag:s0] =	ssyncadd.tile.s32 @!p0 $0x1;
	_ =	shalt  }
.Lfunc_end2:
_tile_overlayer_lowered:
.L_overlay_start_2:
0xed: {  	(tag) =	ssettag $0x2  }
0xee: {  	s0 =	rddreg [dreg:$0x0];
	s2 =	stileid.u32  }
0xef: {  	s1 =	rddreg [dreg:$0x1];
	p0 =	sne.s32 s2, $0x0  }
0xf0: {  	s3 =	rddreg [dreg:$0x2];
	[bflag:$0x3] =	sbarrier.arrive $0xFFFF;
	s2 =	simm.s32 @!p0 $0x1C05  }
0xf1: {  	[timem:s3], [sflag:s2] =	dma.local @!p0 [hbm:s0], s1  }
0xf2: {  	s0 =	simm.s32 @!p0 $0x5  }
0xf3: {  	_ =	swait.ge @!p0 [sflag:s0], s1  }
0xf4: {  	s1 =	ssub.s32 @!p0 $0x0, s1;
	[sflag:s0] =	ssyncset.done @!p0 $0x0  }
0xf5: {  	[sflag:s0] =	ssyncadd.s32 @!p0 s1  }
0xf6: {  	[bflag:$0x3] =	sbarrier.arrive $0xFFFF  }
0xf7: {  	_ =	shalt  }

</sc_bundles>
